<compile_context>
chip_gen: v7x
topology: tpu7x:2x2x1
jax: 0.10.2.dev20260603
libtpu: 0.0.44.dev20260713+nightly
codegen_flags: <defaults>
</compile_context>

<pallas_src>
import functools

import jax
import jax.numpy as jnp
from jax import lax
from jax.experimental import pallas as pl
from jax.experimental.pallas import tpu as pltpu
from jax.experimental.pallas import tpu_sc as plsc

_K = 2048
_F = 256
_N = 50000
_BLK = 512
_NP = 50176
_NB = _NP // _BLK
_CHUNK = 256
_NCH = _K // _CHUNK
_INT_MIN = -2147483648

_NW = 32
_BPW = _K // _NW


def _sortkey(x):
    i = lax.bitcast_convert_type(x, jnp.int32)
    return jnp.where(i < 0, i ^ jnp.int32(0x7FFFFFFF), i)


def _scores_body(emb_ref, scorer_ref, nrm_ref, out_ref):
    b = pl.program_id(0)
    w = scorer_ref[...]
    s = jnp.dot(emb_ref[...], w, preferred_element_type=jnp.float32)
    s = s / nrm_ref[0, 0]
    row = b * _BLK + lax.broadcasted_iota(jnp.int32, (_BLK, 1), 0)
    out_ref[...] = jnp.where(row < _N, s, -jnp.inf).reshape(1, _BLK, 1)


def _scores_call(embs_p, scorer):
    return pl.pallas_call(
        _scores_body,
        grid=(_NB,),
        in_specs=[
            pl.BlockSpec((_BLK, _F), lambda b: (b, 0)),
            pl.BlockSpec((_F, 1), lambda b: (0, 0)),
            pl.BlockSpec((1, 1), lambda b: (0, 0)),
        ],
        out_specs=pl.BlockSpec((1, _BLK, 1), lambda b: (b, 0, 0)),
        out_shape=jax.ShapeDtypeStruct((_NB, _BLK, 1), jnp.float32),
    )(embs_p, scorer, jnp.linalg.norm(scorer).reshape(1, 1))


def _thresh_body(sc_ref, out_ref):
    skey = _sortkey(sc_ref[...])

    def step(t, ans_u):
        bbit = 31 - t
        trial_u = ans_u | (jnp.int32(1) << bbit)
        trial_s = trial_u ^ _INT_MIN
        cnt = jnp.sum((skey >= trial_s).astype(jnp.int32))
        return jnp.where(cnt >= _K, trial_u, ans_u)

    ans_u = lax.fori_loop(0, 32, step, jnp.int32(0))
    kth = ans_u ^ _INT_MIN
    cnt_gt = jnp.sum((skey > kth).astype(jnp.int32))
    ties = _K - cnt_gt
    col = lax.broadcasted_iota(jnp.int32, (8, 128), 1)
    out_ref[...] = jnp.where(col == 0, kth, jnp.where(col == 1, ties, 0))


def _thresh_call(scores):
    return pl.pallas_call(
        _thresh_body,
        out_shape=jax.ShapeDtypeStruct((8, 128), jnp.int32),
    )(scores)


def _compact_body(sc_ref, th_ref, cand_ref, cnt_ref):
    b = pl.program_id(0)

    @pl.when(b == 0)
    def _():
        cnt_ref[0] = 0
        cnt_ref[1] = 0
        cand_ref[...] = jnp.zeros((2, _K), jnp.float32)

    kth = th_ref[0, 0]
    ties = th_ref[0, 1]
    s = sc_ref[...].reshape(_BLK, 1)
    key = _sortkey(s)
    gt = key > kth
    eq = key == kth
    c_tot = cnt_ref[0]
    c_eq = cnt_ref[1]

    tri = (lax.broadcasted_iota(jnp.int32, (_BLK, _BLK), 1)
           < lax.broadcasted_iota(jnp.int32, (_BLK, _BLK), 0)).astype(jnp.float32)
    ge = jnp.concatenate([gt.astype(jnp.float32), eq.astype(jnp.float32)],
                         axis=1)
    cums = jnp.dot(tri, ge, preferred_element_type=jnp.float32)
    gtcum = cums[:, 0:1].astype(jnp.int32)
    eqcum = cums[:, 1:2].astype(jnp.int32)
    take_eq = eq & ((c_eq + eqcum) < ties)
    sel = gt | take_eq
    takecum = jnp.minimum(eqcum, jnp.maximum(ties - c_eq, 0))
    pos = c_tot + gtcum + takecum

    iota_p = lax.broadcasted_iota(jnp.int32, (_BLK, _K), 1)
    S = jnp.where((iota_p == pos) & sel, 1.0, 0.0)

    idx = (b * _BLK
           + lax.broadcasted_iota(jnp.int32, (_BLK, 1), 0)).astype(jnp.float32)
    s_fin = jnp.maximum(s, jnp.float32(-3.0e38))
    x = jnp.concatenate([s_fin, idx], axis=1)
    cand_ref[...] += lax.dot_general(x, S, (((0,), (0,)), ((), ())),
                                     preferred_element_type=jnp.float32,
                                     precision=lax.Precision.HIGHEST)

    cnt_ref[0] = c_tot + jnp.sum(sel.astype(jnp.int32))
    cnt_ref[1] = c_eq + jnp.sum(eq.astype(jnp.int32))


def _compact_call(scores, thresh):
    return pl.pallas_call(
        _compact_body,
        grid=(_NB,),
        in_specs=[
            pl.BlockSpec((1, _BLK, 1), lambda b: (b, 0, 0)),
            pl.BlockSpec((8, 128), lambda b: (0, 0)),
        ],
        out_specs=pl.BlockSpec((2, _K), lambda b: (0, 0)),
        out_shape=jax.ShapeDtypeStruct((2, _K), jnp.float32),
        scratch_shapes=[pltpu.SMEM((2,), jnp.int32)],
    )(scores, thresh)


def _sc_gather(table, idx):
    mesh = plsc.VectorSubcoreMesh(core_axis_name="c", subcore_axis_name="s")

    @functools.partial(
        pl.kernel,
        mesh=mesh,
        out_type=jax.ShapeDtypeStruct((_K, _F), jnp.float32),
        scratch_types=[
            pltpu.VMEM((_BPW,), jnp.int32),
            pltpu.VMEM((_BPW, _F), jnp.float32),
            pltpu.SemaphoreType.DMA,
        ],
    )
    def k(table_hbm, idx_hbm, out_hbm, idx_v, rows_v, sem):
        wid = lax.axis_index("s") * 2 + lax.axis_index("c")
        base = wid * _BPW
        pltpu.sync_copy(idx_hbm.at[pl.ds(base, _BPW)], idx_v)
        pltpu.async_copy(table_hbm.at[idx_v], rows_v, sem).wait()
        pltpu.sync_copy(rows_v, out_hbm.at[pl.ds(base, _BPW)])

    return k(table, idx)


def _finalize_body(candf_ref, candc_ref, g_ref, out_ref):
    b = pl.program_id(0)

    @pl.when(b == 0)
    def _():
        out_ref[...] = jnp.zeros((_F, _K), jnp.float32)

    keys_all = _sortkey(candf_ref[0:1, :])
    idx_all = candf_ref[1:2, :]

    eye = (lax.broadcasted_iota(jnp.int32, (_CHUNK, _CHUNK), 0)
           == lax.broadcasted_iota(jnp.int32, (_CHUNK, _CHUNK), 1)
           ).astype(jnp.float32)
    cc = lax.dot_general(eye, candc_ref[...], (((1,), (1,)), ((), ())),
                         preferred_element_type=jnp.float32,
                         precision=lax.Precision.HIGHEST)
    score_col = cc[:, 0:1]
    idx_col = cc[:, 1:2]
    key_col = _sortkey(score_col)

    gtm = (keys_all > key_col).astype(jnp.int32)
    eqm = ((keys_all == key_col) & (idx_all < idx_col)).astype(jnp.int32)
    rank = jnp.sum(gtm + eqm, axis=1, keepdims=True)

    iota_r = lax.broadcasted_iota(jnp.int32, (_CHUNK, _K), 1)
    P = (iota_r == rank).astype(jnp.float32)

    gs = g_ref[...] * jnp.tanh(score_col)
    out_ref[...] += lax.dot_general(gs, P, (((0,), (0,)), ((), ())),
                                    preferred_element_type=jnp.float32,
                                    precision=lax.Precision.HIGHEST)


def _finalize_call(cand, g):
    return pl.pallas_call(
        _finalize_body,
        grid=(_NCH,),
        in_specs=[
            pl.BlockSpec((2, _K), lambda b: (0, 0)),
            pl.BlockSpec((2, _CHUNK), lambda b: (0, b)),
            pl.BlockSpec((_CHUNK, _F), lambda b: (b, 0)),
        ],
        out_specs=pl.BlockSpec((_F, _K), lambda b: (0, 0)),
        out_shape=jax.ShapeDtypeStruct((_F, _K), jnp.float32),
    )(cand, cand, g)


def kernel(node_embs, scorer):
    embs_p = jnp.pad(node_embs, ((0, _NP - _N), (0, 0)))
    scores = _scores_call(embs_p, scorer)
    thresh = _thresh_call(scores.reshape(_NP // 128, 128))
    cand = _compact_call(scores, thresh)
    idx = cand[1].astype(jnp.int32)
    g = _sc_gather(node_embs, idx)
    return _finalize_call(cand, g)

# --- scband reference (transcript-rebuilt; emitter-appended) ---
"""Pipeline reference for scband-top-k-17360257810768 (READ-ONLY COPY).

The authoritative reference and input builder live on the scoring server;
editing this copy changes nothing except your own understanding.
"""

import jax, jax.numpy as jnp
import numpy as np

K = 2048
FEATS = 256
N_NODES = 50000


def setup_inputs(seed: int = 0) -> dict:
    key = jax.random.key(seed)
    k1, k2 = jax.random.split(key)
    node_embs = jax.random.normal(k1, (N_NODES, FEATS), dtype=jnp.float32)
    # xavier_uniform_ for scorer of shape (feats, 1): bound = sqrt(6 / (fan_in + fan_out))
    bound = float(np.sqrt(6.0 / (FEATS + 1)))
    scorer = jax.random.uniform(k2, (FEATS, 1), minval=-bound, maxval=bound, dtype=jnp.float32)
    return {"node_embs": node_embs, "scorer": scorer}


def reference(node_embs, scorer):
    # scores = node_embs @ scorer / ||scorer||
    scores = node_embs @ scorer / jnp.linalg.norm(scorer)
    flat = scores.reshape(-1)
    vals, topk_indices = jax.lax.top_k(flat, K)
    out = node_embs[topk_indices] * jnp.tanh(scores[topk_indices].reshape(-1, 1))
    return out.T

if __name__ == "__main__":
    import jax
    _d = setup_inputs()
    print(jax.jit(kernel)(*tuple(_d.values())))

</pallas_src>

<mosaic_0001>
#map = affine_map<(d0, d1) -> (0, 0)>
#map1 = affine_map<(d0, d1) -> (0)>
module attributes {stable_mosaic.version = 14 : i64} {
  func.func @k(%arg0: i32, %arg1: i32, %arg2: memref<50000x256xf32, #tpu.memory_space<hbm>>, %arg3: memref<2048xi32, #tpu.memory_space<hbm>>, %arg4: memref<2048x256xf32, #tpu.memory_space<hbm>>, %arg5: memref<64xi32, #tpu.memory_space<vmem>>, %arg6: memref<64x256xf32, #tpu.memory_space<vmem>>, %arg7: memref<!tpu.dma_semaphore, #tpu.memory_space<semaphore_mem>>) attributes {dimension_semantics = [#tpu.dimension_semantics<core_parallel>, #tpu.dimension_semantics<subcore_parallel>], iteration_bounds = array<i64: 2, 16>, scalar_prefetch = 0 : i64, scratch_operands = 3 : i64, tpu.core_type = #tpu.core_type<sc_vector_subcore>, window_params = [{transform_indices = #map}, {transform_indices = #map1}, {transform_indices = #map}]} {
    %mul3A = arith.constant 2 : i32
    %mul3A_0 = arith.muli %arg1, %mul3A : i32
    %add3A = arith.addi %mul3A_0, %arg0 : i32
    %mul3A_1 = arith.constant 64 : i32
    %mul3A_2 = arith.muli %add3A, %mul3A_1 : i32
    "tpu.region"() ({
      %run_scoped3A = tpu.sem_alloc : memref<!tpu.dma_semaphore, #tpu.memory_space<semaphore_mem>>
      %dma_start3A_7 = tpu.memref_slice %arg3[%mul3A_2] : memref<2048xi32, #tpu.memory_space<hbm>> -> memref<64xi32, #tpu.memory_space<hbm>>
      %dma_start3A_8 = tpu.memref_slice %arg3[%mul3A_2] : memref<2048xi32, #tpu.memory_space<hbm>> -> memref<64xi32, #tpu.memory_space<hbm>>
      tpu.enqueue_dma source(%dma_start3A_8 : memref<64xi32, #tpu.memory_space<hbm>>) target(%arg5 : memref<64xi32, #tpu.memory_space<vmem>>) target_semaphore(%run_scoped3A : memref<!tpu.dma_semaphore, #tpu.memory_space<semaphore_mem>>)
      %dma_wait3A_9 = tpu.memref_slice %arg3[%mul3A_2] : memref<2048xi32, #tpu.memory_space<hbm>> -> memref<64xi32, #tpu.memory_space<hbm>>
      %dma_wait3A_10 = tpu.memref_slice %arg3[%mul3A_2] : memref<2048xi32, #tpu.memory_space<hbm>> -> memref<64xi32, #tpu.memory_space<hbm>>
      tpu.wait_dma2 semaphore(%run_scoped3A : memref<!tpu.dma_semaphore, #tpu.memory_space<semaphore_mem>>) src(%dma_wait3A_10 : memref<64xi32, #tpu.memory_space<hbm>>) dst(%arg5 : memref<64xi32, #tpu.memory_space<vmem>>)
      tpu.yield
    }) : () -> ()
    %dma_start3A = arith.constant 0 : i32
    %dma_start3A_3 = arith.constant 0 : i32
    %dma_start3A_4 = tpu.memref_slice %arg2[%dma_start3A, %dma_start3A_3] : memref<50000x256xf32, #tpu.memory_space<hbm>> -> memref<50000x256xf32, #tpu.memory_space<hbm>>
    tpu.enqueue_indirect_dma source(%dma_start3A_4 : memref<50000x256xf32, #tpu.memory_space<hbm>>) target(%arg6 : memref<64x256xf32, #tpu.memory_space<vmem>>) offsets(%arg5 : memref<64xi32, #tpu.memory_space<vmem>>) semaphore(%arg7 : memref<!tpu.dma_semaphore, #tpu.memory_space<semaphore_mem>>)
    %dma_wait3A = arith.constant 0 : i32
    %dma_wait3A_5 = arith.constant 0 : i32
    %dma_wait3A_6 = tpu.memref_slice %arg2[%dma_wait3A, %dma_wait3A_5] : memref<50000x256xf32, #tpu.memory_space<hbm>> -> memref<50000x256xf32, #tpu.memory_space<hbm>>
    tpu.wait_indirect_dma semaphore(%arg7 : memref<!tpu.dma_semaphore, #tpu.memory_space<semaphore_mem>>) src(%dma_wait3A_6 : memref<50000x256xf32, #tpu.memory_space<hbm>>) dst(%arg6 : memref<64x256xf32, #tpu.memory_space<vmem>>)
    "tpu.region"() ({
      %run_scoped3A = tpu.sem_alloc : memref<!tpu.dma_semaphore, #tpu.memory_space<semaphore_mem>>
      %dma_start3A_7 = arith.constant 0 : i32
      %dma_start3A_8 = tpu.memref_slice %arg4[%mul3A_2, %dma_start3A_7] : memref<2048x256xf32, #tpu.memory_space<hbm>> -> memref<64x256xf32, #tpu.memory_space<hbm>>
      %dma_start3A_9 = arith.constant 0 : i32
      %dma_start3A_10 = tpu.memref_slice %arg4[%mul3A_2, %dma_start3A_9] : memref<2048x256xf32, #tpu.memory_space<hbm>> -> memref<64x256xf32, #tpu.memory_space<hbm>>
      tpu.enqueue_dma source(%arg6 : memref<64x256xf32, #tpu.memory_space<vmem>>) target(%dma_start3A_10 : memref<64x256xf32, #tpu.memory_space<hbm>>) target_semaphore(%run_scoped3A : memref<!tpu.dma_semaphore, #tpu.memory_space<semaphore_mem>>)
      %dma_wait3A_11 = arith.constant 0 : i32
      %dma_wait3A_12 = tpu.memref_slice %arg4[%mul3A_2, %dma_wait3A_11] : memref<2048x256xf32, #tpu.memory_space<hbm>> -> memref<64x256xf32, #tpu.memory_space<hbm>>
      %dma_wait3A_13 = arith.constant 0 : i32
      %dma_wait3A_14 = tpu.memref_slice %arg4[%mul3A_2, %dma_wait3A_13] : memref<2048x256xf32, #tpu.memory_space<hbm>> -> memref<64x256xf32, #tpu.memory_space<hbm>>
      tpu.wait_dma2 semaphore(%run_scoped3A : memref<!tpu.dma_semaphore, #tpu.memory_space<semaphore_mem>>) src(%arg6 : memref<64x256xf32, #tpu.memory_space<vmem>>) dst(%dma_wait3A_14 : memref<64x256xf32, #tpu.memory_space<hbm>>)
      tpu.yield
    }) : () -> ()
    return
  }
}

module attributes {stable_mosaic.version = 14 : i64} {
  func.func @_scores_body(%arg0: i32, %arg1: memref<512x256xf32, #tpu.memory_space<vmem>>, %arg2: memref<256x1xf32, #tpu.memory_space<vmem>>, %arg3: memref<1x1xf32, #tpu.memory_space<vmem>>, %arg4: memref<1x512x1xf32, #tpu.memory_space<vmem>>) attributes {dimension_semantics = [#tpu.dimension_semantics<arbitrary>], iteration_bounds = array<i64: 98>, scalar_prefetch = 0 : i64, scratch_operands = 0 : i64, tpu.core_type = #tpu.core_type<tc>, window_params = [{transform_indices = @transform_0, window_bounds = array<i64: 512, 256>}, {pipeline_mode = #tpu.pipeline_mode<synchronous>, transform_indices = @transform_1, window_bounds = array<i64: 256, 1>}, {pipeline_mode = #tpu.pipeline_mode<synchronous>, transform_indices = @transform_2, window_bounds = array<i64: 1, 1>}, {transform_indices = @transform_3, window_bounds = array<i64: 1, 512, 1>}]} {
    %get3A = arith.constant 0 : index
    %get3A_0 = arith.constant 0 : index
    %get3A_1 = vector.load %arg2[%get3A, %get3A_0] : memref<256x1xf32, #tpu.memory_space<vmem>>, vector<256x1xf32>
    %get3A_2 = arith.constant 0 : index
    %get3A_3 = arith.constant 0 : index
    %get3A_4 = vector.load %arg1[%get3A_2, %get3A_3] : memref<512x256xf32, #tpu.memory_space<vmem>>, vector<512x256xf32>
    %dot_general3A = arith.constant dense<0.000000e+00> : vector<512x1xf32>
    %dot_general3A_5 = tpu.matmul %get3A_4, %get3A_1, %dot_general3A {dimension_numbers = #tpu.dot_dimension_numbers<[1], [0], [0], [1], [0, 0, 1, 1], [], []>, transpose_lhs_hint = false} : vector<512x256xf32>, vector<256x1xf32>, vector<512x1xf32> -> vector<512x1xf32>
    %get3A_6 = arith.constant 0 : index
    %get3A_7 = arith.constant 0 : index
    %get3A_8 = vector.load %arg3[%get3A_6, %get3A_7] : memref<1x1xf32, #tpu.memory_space<vmem>>, vector<1x1xf32>
    %get3A_9 = vector.extract %get3A_8[0, 0] : f32 from vector<1x1xf32>
    %div3A = vector.broadcast %get3A_9 : f32 to vector<512x1xf32>
    %div3A_10 = arith.divf %dot_general3A_5, %div3A : vector<512x1xf32>
    %mul3A = arith.constant 512 : i32
    %mul3A_11 = arith.muli %arg0, %mul3A : i32
    %iota3A = tpu.iota {dimensions = array<i32: 0>} : vector<512x1xi32>
    %add3A = vector.broadcast %mul3A_11 : i32 to vector<512x1xi32>
    %add3A_12 = arith.addi %add3A, %iota3A : vector<512x1xi32>
    %lt3A = arith.constant 50000 : i32
    %lt3A_13 = vector.broadcast %lt3A : i32 to vector<512x1xi32>
    %lt3A_14 = arith.cmpi slt, %add3A_12, %lt3A_13 : vector<512x1xi32>
    %jit3A = arith.constant 0xFF800000 : f32
    %broadcast_in_dim3A = vector.broadcast %jit3A : f32 to vector<512x1xf32>
    %select_n3A = arith.select %lt3A_14, %div3A_10, %broadcast_in_dim3A : vector<512x1xi1>, vector<512x1xf32>
    %reshape3A = vector.shape_cast %select_n3A : vector<512x1xf32> to vector<1x512x1xf32>
    %swap3A = arith.constant 0 : index
    %swap3A_15 = arith.constant 0 : index
    %swap3A_16 = arith.constant 0 : index
    %swap3A_17 = vector.load %arg4[%swap3A, %swap3A_15, %swap3A_16] : memref<1x512x1xf32, #tpu.memory_space<vmem>>, vector<1x512x1xf32>
    tpu.vector_store %arg4[%swap3A, %swap3A_15, %swap3A_16], %reshape3A {strides = array<i32>} : memref<1x512x1xf32, #tpu.memory_space<vmem>>, vector<1x512x1xf32>,
    return
  }
  func.func @transform_0(%arg0: i32) -> (i32, i32) {
    %c0_i32 = arith.constant 0 : i32
    %c0_i32_0 = arith.constant 0 : i32
    return %arg0, %c0_i32 : i32, i32
  }
  func.func @transform_1(%arg0: i32) -> (i32, i32) {
    %c0_i32 = arith.constant 0 : i32
    %c0_i32_0 = arith.constant 0 : i32
    %c0_i32_1 = arith.constant 0 : i32
    return %c0_i32, %c0_i32_0 : i32, i32
  }
  func.func @transform_2(%arg0: i32) -> (i32, i32) {
    %c0_i32 = arith.constant 0 : i32
    %c0_i32_0 = arith.constant 0 : i32
    %c0_i32_1 = arith.constant 0 : i32
    return %c0_i32, %c0_i32_0 : i32, i32
  }
  func.func @transform_3(%arg0: i32) -> (i32, i32, i32) {
    %c0_i32 = arith.constant 0 : i32
    %c0_i32_0 = arith.constant 0 : i32
    %c0_i32_1 = arith.constant 0 : i32
    return %arg0, %c0_i32, %c0_i32_0 : i32, i32, i32
  }
}

module attributes {stable_mosaic.version = 14 : i64} {
  func.func @_thresh_body(%arg0: memref<392x128xf32, #tpu.memory_space<vmem>>, %arg1: memref<8x128xi32, #tpu.memory_space<vmem>>) attributes {dimension_semantics = [], scalar_prefetch = 0 : i64, scratch_operands = 0 : i64, tpu.core_type = #tpu.core_type<tc>} {
    %get3A = arith.constant 0 : index
    %get3A_0 = arith.constant 0 : index
    %get3A_1 = vector.load %arg0[%get3A, %get3A_0] : memref<392x128xf32, #tpu.memory_space<vmem>>, vector<392x128xf32>
    %bitcast_convert_type3A = tpu.bitcast %get3A_1 : vector<392x128xf32> -> vector<392x128xi32>
    %lt3A = arith.constant 0 : i32
    %lt3A_2 = vector.broadcast %lt3A : i32 to vector<392x128xi32>
    %lt3A_3 = arith.cmpi slt, %bitcast_convert_type3A, %lt3A_2 : vector<392x128xi32>
    %xor3A = arith.constant 2147483647 : i32
    %xor3A_4 = vector.broadcast %xor3A : i32 to vector<392x128xi32>
    %xor3A_5 = arith.xori %bitcast_convert_type3A, %xor3A_4 : vector<392x128xi32>
    %select_n3A = arith.select %lt3A_3, %xor3A_5, %bitcast_convert_type3A : vector<392x128xi1>, vector<392x128xi32>
    %scan3A = arith.constant 0 : i32
    %scan3A_6 = arith.constant 0 : i32
    %scan3A_7 = arith.constant 32 : i32
    %scan3A_8 = arith.addi %scan3A_6, %scan3A_7 : i32
    %scan3A_9 = arith.constant 1 : i32
    %scan3A_10 = scf.for %scan3A_31 = %scan3A_6 to %scan3A_8 step %scan3A_9 iter_args(%scan3A_32 = %scan3A) -> (i32)  : i32 {
      %sub3A_33 = arith.constant 31 : i32
      %sub3A_34 = arith.subi %sub3A_33, %scan3A_31 : i32
      %shift_left3A = arith.constant 1 : i32
      %shift_left3A_35 = arith.shli %shift_left3A, %sub3A_34 : i32
      %or3A = arith.ori %scan3A_32, %shift_left3A_35 : i32
      %xor3A_36 = arith.constant -2147483648 : i32
      %xor3A_37 = arith.xori %or3A, %xor3A_36 : i32
      %ge3A = vector.broadcast %xor3A_37 : i32 to vector<392x128xi32>
      %ge3A_38 = arith.cmpi sge, %select_n3A, %ge3A : vector<392x128xi32>
      %convert_element_type3A_39 = arith.extui %ge3A_38 : vector<392x128xi1> to vector<392x128xi32>
      %reduce_sum3A_40 = vector.shape_cast %convert_element_type3A_39 : vector<392x128xi32> to vector<1x392x128xi32>
      %reduce_sum3A_41 = arith.constant dense<0> : vector<1xi32>
      %reduce_sum3A_42 = vector.multi_reduction <add>, %reduce_sum3A_40, %reduce_sum3A_41 [1, 2] : vector<1x392x128xi32> to vector<1xi32>
      %reduce_sum3A_43 = vector.shape_cast %reduce_sum3A_42 : vector<1xi32> to vector<1x1x1xi32>
      %reduce_sum3A_44 = vector.extract %reduce_sum3A_43[0, 0, 0] : i32 from vector<1x1x1xi32>
      %ge3A_45 = arith.constant 2048 : i32
      %ge3A_46 = arith.cmpi sge, %reduce_sum3A_44, %ge3A_45 : i32
      %select_n3A_47 = arith.select %ge3A_46, %or3A, %scan3A_32 : i32
      scf.yield %select_n3A_47 : i32
    }
    %scan3A_11 = arith.constant 32 : i32
    %xor3A_12 = arith.constant -2147483648 : i32
    %xor3A_13 = arith.xori %scan3A_10, %xor3A_12 : i32
    %gt3A = vector.broadcast %xor3A_13 : i32 to vector<392x128xi32>
    %gt3A_14 = arith.cmpi sgt, %select_n3A, %gt3A : vector<392x128xi32>
    %convert_element_type3A = arith.extui %gt3A_14 : vector<392x128xi1> to vector<392x128xi32>
    %reduce_sum3A = vector.shape_cast %convert_element_type3A : vector<392x128xi32> to vector<1x392x128xi32>
    %reduce_sum3A_15 = arith.constant dense<0> : vector<1xi32>
    %reduce_sum3A_16 = vector.multi_reduction <add>, %reduce_sum3A, %reduce_sum3A_15 [1, 2] : vector<1x392x128xi32> to vector<1xi32>
    %reduce_sum3A_17 = vector.shape_cast %reduce_sum3A_16 : vector<1xi32> to vector<1x1x1xi32>
    %reduce_sum3A_18 = vector.extract %reduce_sum3A_17[0, 0, 0] : i32 from vector<1x1x1xi32>
    %sub3A = arith.constant 2048 : i32
    %sub3A_19 = arith.subi %sub3A, %reduce_sum3A_18 : i32
    %iota3A = tpu.iota {dimensions = array<i32: 1>} : vector<8x128xi32>
    %eq3A = arith.constant 0 : i32
    %eq3A_20 = vector.broadcast %eq3A : i32 to vector<8x128xi32>
    %eq3A_21 = arith.cmpi eq, %iota3A, %eq3A_20 : vector<8x128xi32>
    %eq3A_22 = arith.constant 1 : i32
    %eq3A_23 = vector.broadcast %eq3A_22 : i32 to vector<8x128xi32>
    %eq3A_24 = arith.cmpi eq, %iota3A, %eq3A_23 : vector<8x128xi32>
    %jit3A = arith.constant 0 : i32
    %broadcast_in_dim3A = vector.broadcast %sub3A_19 : i32 to vector<8x128xi32>
    %broadcast_in_dim3A_25 = vector.broadcast %jit3A : i32 to vector<8x128xi32>
    %select_n3A_26 = arith.select %eq3A_24, %broadcast_in_dim3A, %broadcast_in_dim3A_25 : vector<8x128xi1>, vector<8x128xi32>
    %broadcast_in_dim3A_27 = vector.broadcast %xor3A_13 : i32 to vector<8x128xi32>
    %select_n3A_28 = arith.select %eq3A_21, %broadcast_in_dim3A_27, %select_n3A_26 : vector<8x128xi1>, vector<8x128xi32>
    %swap3A = arith.constant 0 : index
    %swap3A_29 = arith.constant 0 : index
    %swap3A_30 = vector.load %arg1[%swap3A, %swap3A_29] : memref<8x128xi32, #tpu.memory_space<vmem>>, vector<8x128xi32>
    tpu.vector_store %arg1[%swap3A, %swap3A_29], %select_n3A_28 {strides = array<i32>} : memref<8x128xi32, #tpu.memory_space<vmem>>, vector<8x128xi32>,
    return
  }
}

module attributes {stable_mosaic.version = 14 : i64} {
  func.func @_compact_body(%arg0: i32, %arg1: memref<1x512x1xf32, #tpu.memory_space<vmem>>, %arg2: memref<8x128xi32, #tpu.memory_space<vmem>>, %arg3: memref<2x2048xf32, #tpu.memory_space<vmem>>, %arg4: memref<2xi32, #tpu.memory_space<smem>>) attributes {dimension_semantics = [#tpu.dimension_semantics<arbitrary>], iteration_bounds = array<i64: 98>, scalar_prefetch = 0 : i64, scratch_operands = 1 : i64, tpu.core_type = #tpu.core_type<tc>, window_params = [{transform_indices = @transform_0, window_bounds = array<i64: 1, 512, 1>}, {pipeline_mode = #tpu.pipeline_mode<synchronous>, transform_indices = @transform_1, window_bounds = array<i64: 8, 128>}, {pipeline_mode = #tpu.pipeline_mode<synchronous>, transform_indices = @transform_2, window_bounds = array<i64: 2, 2048>}]} {
    %eq3A = arith.constant 0 : i32
    %eq3A_0 = arith.cmpi eq, %arg0, %eq3A : i32
    %convert_element_type3A = arith.extui %eq3A_0 : i1 to i32
    %cond3A = arith.constant 0 : i32
    %cond3A_1 = arith.cmpi ne, %convert_element_type3A, %cond3A : i32
    scf.if %cond3A_1 {
      %swap3A_86 = arith.constant 0 : i32
      %swap3A_87 = arith.constant 0 : index
      %swap3A_88 = memref.load %arg4[%swap3A_87] : memref<2xi32, #tpu.memory_space<smem>>
      memref.store %swap3A_86, %arg4[%swap3A_87] : memref<2xi32, #tpu.memory_space<smem>>
      %swap3A_89 = arith.constant 0 : i32
      %swap3A_90 = arith.constant 1 : index
      %swap3A_91 = memref.load %arg4[%swap3A_90] : memref<2xi32, #tpu.memory_space<smem>>
      memref.store %swap3A_89, %arg4[%swap3A_90] : memref<2xi32, #tpu.memory_space<smem>>
      %broadcast_in_dim3A_92 = arith.constant 0.000000e+00 : f32
      %broadcast_in_dim3A_93 = vector.broadcast %broadcast_in_dim3A_92 : f32 to vector<2x2048xf32>
      %swap3A_94 = arith.constant 0 : index
      %swap3A_95 = arith.constant 0 : index
      %swap3A_96 = vector.load %arg3[%swap3A_94, %swap3A_95] : memref<2x2048xf32, #tpu.memory_space<vmem>>, vector<2x2048xf32>
      tpu.vector_store %arg3[%swap3A_94, %swap3A_95], %broadcast_in_dim3A_93 {strides = array<i32>} : memref<2x2048xf32, #tpu.memory_space<vmem>>, vector<2x2048xf32>,
    } else {
    }
    %get3A = arith.constant 0 : index
    %get3A_2 = arith.constant 0 : index
    %get3A_3 = vector.load %arg2[%get3A, %get3A_2] : memref<8x128xi32, #tpu.memory_space<vmem>>, vector<1x1xi32>
    %get3A_4 = vector.extract %get3A_3[0, 0] : i32 from vector<1x1xi32>
    %get3A_5 = arith.constant 0 : index
    %get3A_6 = arith.constant 1 : index
    %get3A_7 = vector.load %arg2[%get3A_5, %get3A_6] : memref<8x128xi32, #tpu.memory_space<vmem>>, vector<1x1xi32>
    %get3A_8 = vector.extract %get3A_7[0, 0] : i32 from vector<1x1xi32>
    %get3A_9 = arith.constant 0 : index
    %get3A_10 = arith.constant 0 : index
    %get3A_11 = arith.constant 0 : index
    %get3A_12 = vector.load %arg1[%get3A_9, %get3A_10, %get3A_11] : memref<1x512x1xf32, #tpu.memory_space<vmem>>, vector<1x512x1xf32>
    %reshape3A = vector.shape_cast %get3A_12 : vector<1x512x1xf32> to vector<512x1xf32>
    %bitcast_convert_type3A = tpu.bitcast %reshape3A : vector<512x1xf32> -> vector<512x1xi32>
    %lt3A = arith.constant 0 : i32
    %lt3A_13 = vector.broadcast %lt3A : i32 to vector<512x1xi32>
    %lt3A_14 = arith.cmpi slt, %bitcast_convert_type3A, %lt3A_13 : vector<512x1xi32>
    %xor3A = arith.constant 2147483647 : i32
    %xor3A_15 = vector.broadcast %xor3A : i32 to vector<512x1xi32>
    %xor3A_16 = arith.xori %bitcast_convert_type3A, %xor3A_15 : vector<512x1xi32>
    %select_n3A = arith.select %lt3A_14, %xor3A_16, %bitcast_convert_type3A : vector<512x1xi1>, vector<512x1xi32>
    %gt3A = vector.broadcast %get3A_4 : i32 to vector<512x1xi32>
    %gt3A_17 = arith.cmpi sgt, %select_n3A, %gt3A : vector<512x1xi32>
    %eq3A_18 = vector.broadcast %get3A_4 : i32 to vector<512x1xi32>
    %eq3A_19 = arith.cmpi eq, %select_n3A, %eq3A_18 : vector<512x1xi32>
    %get3A_20 = arith.constant 0 : index
    %get3A_21 = memref.load %arg4[%get3A_20] : memref<2xi32, #tpu.memory_space<smem>>
    %get3A_22 = arith.constant 1 : index
    %get3A_23 = memref.load %arg4[%get3A_22] : memref<2xi32, #tpu.memory_space<smem>>
    %iota3A = tpu.iota {dimensions = array<i32: 1>} : vector<512x512xi32>
    %iota3A_24 = tpu.iota {dimensions = array<i32: 0>} : vector<512x512xi32>
    %lt3A_25 = arith.cmpi slt, %iota3A, %iota3A_24 : vector<512x512xi32>
    %convert_element_type3A_26 = arith.extui %lt3A_25 : vector<512x512xi1> to vector<512x512xi32>
    %convert_element_type3A_27 = arith.sitofp %convert_element_type3A_26 : vector<512x512xi32> to vector<512x512xf32>
    %convert_element_type3A_28 = arith.extui %gt3A_17 : vector<512x1xi1> to vector<512x1xi32>
    %convert_element_type3A_29 = arith.sitofp %convert_element_type3A_28 : vector<512x1xi32> to vector<512x1xf32>
    %convert_element_type3A_30 = arith.extui %eq3A_19 : vector<512x1xi1> to vector<512x1xi32>
    %convert_element_type3A_31 = arith.sitofp %convert_element_type3A_30 : vector<512x1xi32> to vector<512x1xf32>
    %concatenate3A = tpu.concatenate %convert_element_type3A_29, %convert_element_type3A_31 in 1 : vector<512x1xf32>, vector<512x1xf32> -> vector<512x2xf32>
    %dot_general3A = arith.constant dense<0.000000e+00> : vector<512x2xf32>
    %dot_general3A_32 = tpu.matmul %convert_element_type3A_27, %concatenate3A, %dot_general3A {dimension_numbers = #tpu.dot_dimension_numbers<[1], [0], [0], [1], [0, 0, 1, 1], [], []>, transpose_lhs_hint = false} : vector<512x512xf32>, vector<512x2xf32>, vector<512x2xf32> -> vector<512x2xf32>
    %slice3A = vector.extract_strided_slice %dot_general3A_32 {offsets = [0, 0], sizes = [512, 1], strides = [1, 1]} : vector<512x2xf32> to vector<512x1xf32>
    %convert_element_type3A_33 = arith.fptosi %slice3A : vector<512x1xf32> to vector<512x1xi32>
    %slice3A_34 = vector.extract_strided_slice %dot_general3A_32 {offsets = [0, 1], sizes = [512, 1], strides = [1, 1]} : vector<512x2xf32> to vector<512x1xf32>
    %convert_element_type3A_35 = arith.fptosi %slice3A_34 : vector<512x1xf32> to vector<512x1xi32>
    %add3A = vector.broadcast %get3A_23 : i32 to vector<512x1xi32>
    %add3A_36 = arith.addi %add3A, %convert_element_type3A_35 : vector<512x1xi32>
    %lt3A_37 = vector.broadcast %get3A_8 : i32 to vector<512x1xi32>
    %lt3A_38 = arith.cmpi slt, %add3A_36, %lt3A_37 : vector<512x1xi32>
    %and3A = arith.andi %eq3A_19, %lt3A_38 : vector<512x1xi1>
    %or3A = arith.ori %gt3A_17, %and3A : vector<512x1xi1>
    %sub3A = arith.subi %get3A_8, %get3A_23 : i32
    %max3A = arith.constant 0 : i32
    %max3A_39 = arith.maxsi %sub3A, %max3A : i32
    %min3A = vector.broadcast %max3A_39 : i32 to vector<512x1xi32>
    %min3A_40 = arith.minsi %convert_element_type3A_35, %min3A : vector<512x1xi32>
    %add3A_41 = vector.broadcast %get3A_21 : i32 to vector<512x1xi32>
    %add3A_42 = arith.addi %add3A_41, %convert_element_type3A_33 : vector<512x1xi32>
    %add3A_43 = arith.addi %add3A_42, %min3A_40 : vector<512x1xi32>
    %iota3A_44 = tpu.iota {dimensions = array<i32: 1>} : vector<512x2048xi32>
    %eq3A_45 = vector.broadcast %add3A_43 : vector<512x1xi32> to vector<512x2048xi32>
    %eq3A_46 = arith.cmpi eq, %iota3A_44, %eq3A_45 : vector<512x2048xi32>
    %and3A_47 = vector.broadcast %or3A : vector<512x1xi1> to vector<512x2048xi1>
    %and3A_48 = arith.andi %eq3A_46, %and3A_47 : vector<512x2048xi1>
    %jit3A = arith.constant 1.000000e+00 : f32
    %jit3A_49 = arith.constant 0.000000e+00 : f32
    %broadcast_in_dim3A = vector.broadcast %jit3A : f32 to vector<512x2048xf32>
    %broadcast_in_dim3A_50 = vector.broadcast %jit3A_49 : f32 to vector<512x2048xf32>
    %select_n3A_51 = arith.select %and3A_48, %broadcast_in_dim3A, %broadcast_in_dim3A_50 : vector<512x2048xi1>, vector<512x2048xf32>
    %mul3A = arith.constant 512 : i32
    %mul3A_52 = arith.muli %arg0, %mul3A : i32
    %iota3A_53 = tpu.iota {dimensions = array<i32: 0>} : vector<512x1xi32>
    %add3A_54 = vector.broadcast %mul3A_52 : i32 to vector<512x1xi32>
    %add3A_55 = arith.addi %add3A_54, %iota3A_53 : vector<512x1xi32>
    %convert_element_type3A_56 = arith.sitofp %add3A_55 : vector<512x1xi32> to vector<512x1xf32>
    %max3A_57 = arith.constant -3.000000e+38 : f32
    %max3A_58 = vector.broadcast %max3A_57 : f32 to vector<512x1xf32>
    %max3A_59 = arith.maximumf %reshape3A, %max3A_58 : vector<512x1xf32>
    %concatenate3A_60 = tpu.concatenate %max3A_59, %convert_element_type3A_56 in 1 : vector<512x1xf32>, vector<512x1xf32> -> vector<512x2xf32>
    %get3A_61 = arith.constant 0 : index
    %get3A_62 = arith.constant 0 : index
    %get3A_63 = vector.load %arg3[%get3A_61, %get3A_62] : memref<2x2048xf32, #tpu.memory_space<vmem>>, vector<2x2048xf32>
    %dot_general3A_64 = arith.constant dense<0.000000e+00> : vector<2x2048xf32>
    %dot_general3A_65 = tpu.matmul %concatenate3A_60, %select_n3A_51, %dot_general3A_64 {dimension_numbers = #tpu.dot_dimension_numbers<[0], [0], [1], [1], [0, 1, 1, 1], [], []>, precision = #tpu.contract_precision<fp32>, transpose_lhs_hint = false} : vector<512x2xf32>, vector<512x2048xf32>, vector<2x2048xf32> -> vector<2x2048xf32>
    %add3A_66 = arith.addf %get3A_63, %dot_general3A_65 : vector<2x2048xf32>
    %swap3A = arith.constant 0 : index
    %swap3A_67 = arith.constant 0 : index
    %swap3A_68 = vector.load %arg3[%swap3A, %swap3A_67] : memref<2x2048xf32, #tpu.memory_space<vmem>>, vector<2x2048xf32>
    tpu.vector_store %arg3[%swap3A, %swap3A_67], %add3A_66 {strides = array<i32>} : memref<2x2048xf32, #tpu.memory_space<vmem>>, vector<2x2048xf32>,
    %convert_element_type3A_69 = arith.extui %or3A : vector<512x1xi1> to vector<512x1xi32>
    %reduce_sum3A = vector.shape_cast %convert_element_type3A_69 : vector<512x1xi32> to vector<1x512x1xi32>
    %reduce_sum3A_70 = arith.constant dense<0> : vector<1xi32>
    %reduce_sum3A_71 = vector.multi_reduction <add>, %reduce_sum3A, %reduce_sum3A_70 [1, 2] : vector<1x512x1xi32> to vector<1xi32>
    %reduce_sum3A_72 = vector.shape_cast %reduce_sum3A_71 : vector<1xi32> to vector<1x1x1xi32>
    %reduce_sum3A_73 = vector.extract %reduce_sum3A_72[0, 0, 0] : i32 from vector<1x1x1xi32>
    %add3A_74 = arith.addi %get3A_21, %reduce_sum3A_73 : i32
    %swap3A_75 = arith.constant 0 : index
    %swap3A_76 = memref.load %arg4[%swap3A_75] : memref<2xi32, #tpu.memory_space<smem>>
    memref.store %add3A_74, %arg4[%swap3A_75] : memref<2xi32, #tpu.memory_space<smem>>
    %convert_element_type3A_77 = arith.extui %eq3A_19 : vector<512x1xi1> to vector<512x1xi32>
    %reduce_sum3A_78 = vector.shape_cast %convert_element_type3A_77 : vector<512x1xi32> to vector<1x512x1xi32>
    %reduce_sum3A_79 = arith.constant dense<0> : vector<1xi32>
    %reduce_sum3A_80 = vector.multi_reduction <add>, %reduce_sum3A_78, %reduce_sum3A_79 [1, 2] : vector<1x512x1xi32> to vector<1xi32>
    %reduce_sum3A_81 = vector.shape_cast %reduce_sum3A_80 : vector<1xi32> to vector<1x1x1xi32>
    %reduce_sum3A_82 = vector.extract %reduce_sum3A_81[0, 0, 0] : i32 from vector<1x1x1xi32>
    %add3A_83 = arith.addi %get3A_23, %reduce_sum3A_82 : i32
    %swap3A_84 = arith.constant 1 : index
    %swap3A_85 = memref.load %arg4[%swap3A_84] : memref<2xi32, #tpu.memory_space<smem>>
    memref.store %add3A_83, %arg4[%swap3A_84] : memref<2xi32, #tpu.memory_space<smem>>
    return
  }
  func.func @transform_0(%arg0: i32) -> (i32, i32, i32) {
    %c0_i32 = arith.constant 0 : i32
    %c0_i32_0 = arith.constant 0 : i32
    %c0_i32_1 = arith.constant 0 : i32
    return %arg0, %c0_i32, %c0_i32_0 : i32, i32, i32
  }
  func.func @transform_1(%arg0: i32) -> (i32, i32) {
    %c0_i32 = arith.constant 0 : i32
    %c0_i32_0 = arith.constant 0 : i32
    %c0_i32_1 = arith.constant 0 : i32
    return %c0_i32, %c0_i32_0 : i32, i32
  }
  func.func @transform_2(%arg0: i32) -> (i32, i32) {
    %c0_i32 = arith.constant 0 : i32
    %c0_i32_0 = arith.constant 0 : i32
    %c0_i32_1 = arith.constant 0 : i32
    return %c0_i32, %c0_i32_0 : i32, i32
  }
}

module attributes {stable_mosaic.version = 14 : i64} {
  func.func @_finalize_body(%arg0: i32, %arg1: memref<2x2048xf32, #tpu.memory_space<vmem>>, %arg2: memref<2x256xf32, #tpu.memory_space<vmem>>, %arg3: memref<256x256xf32, #tpu.memory_space<vmem>>, %arg4: memref<256x2048xf32, #tpu.memory_space<vmem>>) attributes {dimension_semantics = [#tpu.dimension_semantics<arbitrary>], iteration_bounds = array<i64: 8>, scalar_prefetch = 0 : i64, scratch_operands = 0 : i64, tpu.core_type = #tpu.core_type<tc>, window_params = [{pipeline_mode = #tpu.pipeline_mode<synchronous>, transform_indices = @transform_0, window_bounds = array<i64: 2, 2048>}, {transform_indices = @transform_1, window_bounds = array<i64: 2, 256>}, {transform_indices = @transform_2, window_bounds = array<i64: 256, 256>}, {pipeline_mode = #tpu.pipeline_mode<synchronous>, transform_indices = @transform_3, window_bounds = array<i64: 256, 2048>}]} {
    %eq3A = arith.constant 0 : i32
    %eq3A_0 = arith.cmpi eq, %arg0, %eq3A : i32
    %convert_element_type3A = arith.extui %eq3A_0 : i1 to i32
    %cond3A = arith.constant 0 : i32
    %cond3A_1 = arith.cmpi ne, %convert_element_type3A, %cond3A : i32
    scf.if %cond3A_1 {
      %broadcast_in_dim3A_56 = arith.constant 0.000000e+00 : f32
      %broadcast_in_dim3A_57 = vector.broadcast %broadcast_in_dim3A_56 : f32 to vector<256x2048xf32>
      %swap3A_58 = arith.constant 0 : index
      %swap3A_59 = arith.constant 0 : index
      %swap3A_60 = vector.load %arg4[%swap3A_58, %swap3A_59] : memref<256x2048xf32, #tpu.memory_space<vmem>>, vector<256x2048xf32>
      tpu.vector_store %arg4[%swap3A_58, %swap3A_59], %broadcast_in_dim3A_57 {strides = array<i32>} : memref<256x2048xf32, #tpu.memory_space<vmem>>, vector<256x2048xf32>,
    } else {
    }
    %get3A = arith.constant 0 : index
    %get3A_2 = arith.constant 0 : index
    %get3A_3 = vector.load %arg1[%get3A, %get3A_2] : memref<2x2048xf32, #tpu.memory_space<vmem>>, vector<1x2048xf32>
    %bitcast_convert_type3A = tpu.bitcast %get3A_3 : vector<1x2048xf32> -> vector<1x2048xi32>
    %lt3A = arith.constant 0 : i32
    %lt3A_4 = vector.broadcast %lt3A : i32 to vector<1x2048xi32>
    %lt3A_5 = arith.cmpi slt, %bitcast_convert_type3A, %lt3A_4 : vector<1x2048xi32>
    %xor3A = arith.constant 2147483647 : i32
    %xor3A_6 = vector.broadcast %xor3A : i32 to vector<1x2048xi32>
    %xor3A_7 = arith.xori %bitcast_convert_type3A, %xor3A_6 : vector<1x2048xi32>
    %select_n3A = arith.select %lt3A_5, %xor3A_7, %bitcast_convert_type3A : vector<1x2048xi1>, vector<1x2048xi32>
    %get3A_8 = arith.constant 1 : index
    %get3A_9 = arith.constant 0 : index
    %get3A_10 = vector.load %arg1[%get3A_8, %get3A_9] : memref<2x2048xf32, #tpu.memory_space<vmem>>, vector<1x2048xf32>
    %iota3A = tpu.iota {dimensions = array<i32: 0>} : vector<256x256xi32>
    %iota3A_11 = tpu.iota {dimensions = array<i32: 1>} : vector<256x256xi32>
    %eq3A_12 = arith.cmpi eq, %iota3A, %iota3A_11 : vector<256x256xi32>
    %convert_element_type3A_13 = arith.extui %eq3A_12 : vector<256x256xi1> to vector<256x256xi32>
    %convert_element_type3A_14 = arith.sitofp %convert_element_type3A_13 : vector<256x256xi32> to vector<256x256xf32>
    %get3A_15 = arith.constant 0 : index
    %get3A_16 = arith.constant 0 : index
    %get3A_17 = vector.load %arg2[%get3A_15, %get3A_16] : memref<2x256xf32, #tpu.memory_space<vmem>>, vector<2x256xf32>
    %dot_general3A = arith.constant dense<0.000000e+00> : vector<256x2xf32>
    %dot_general3A_18 = tpu.matmul %convert_element_type3A_14, %get3A_17, %dot_general3A {dimension_numbers = #tpu.dot_dimension_numbers<[1], [1], [0], [0], [0, 0, 1, 0], [], []>, precision = #tpu.contract_precision<fp32>, transpose_lhs_hint = false} : vector<256x256xf32>, vector<2x256xf32>, vector<256x2xf32> -> vector<256x2xf32>
    %slice3A = vector.extract_strided_slice %dot_general3A_18 {offsets = [0, 0], sizes = [256, 1], strides = [1, 1]} : vector<256x2xf32> to vector<256x1xf32>
    %slice3A_19 = vector.extract_strided_slice %dot_general3A_18 {offsets = [0, 1], sizes = [256, 1], strides = [1, 1]} : vector<256x2xf32> to vector<256x1xf32>
    %bitcast_convert_type3A_20 = tpu.bitcast %slice3A : vector<256x1xf32> -> vector<256x1xi32>
    %lt3A_21 = arith.constant 0 : i32
    %lt3A_22 = vector.broadcast %lt3A_21 : i32 to vector<256x1xi32>
    %lt3A_23 = arith.cmpi slt, %bitcast_convert_type3A_20, %lt3A_22 : vector<256x1xi32>
    %xor3A_24 = arith.constant 2147483647 : i32
    %xor3A_25 = vector.broadcast %xor3A_24 : i32 to vector<256x1xi32>
    %xor3A_26 = arith.xori %bitcast_convert_type3A_20, %xor3A_25 : vector<256x1xi32>
    %select_n3A_27 = arith.select %lt3A_23, %xor3A_26, %bitcast_convert_type3A_20 : vector<256x1xi1>, vector<256x1xi32>
    %gt3A = vector.broadcast %select_n3A : vector<1x2048xi32> to vector<256x2048xi32>
    %gt3A_28 = vector.broadcast %select_n3A_27 : vector<256x1xi32> to vector<256x2048xi32>
    %gt3A_29 = arith.cmpi sgt, %gt3A, %gt3A_28 : vector<256x2048xi32>
    %convert_element_type3A_30 = arith.extui %gt3A_29 : vector<256x2048xi1> to vector<256x2048xi32>
    %eq3A_31 = vector.broadcast %select_n3A : vector<1x2048xi32> to vector<256x2048xi32>
    %eq3A_32 = vector.broadcast %select_n3A_27 : vector<256x1xi32> to vector<256x2048xi32>
    %eq3A_33 = arith.cmpi eq, %eq3A_31, %eq3A_32 : vector<256x2048xi32>
    %lt3A_34 = vector.broadcast %get3A_10 : vector<1x2048xf32> to vector<256x2048xf32>
    %lt3A_35 = vector.broadcast %slice3A_19 : vector<256x1xf32> to vector<256x2048xf32>
    %lt3A_36 = arith.cmpf olt, %lt3A_34, %lt3A_35 : vector<256x2048xf32>
    %and3A = arith.andi %eq3A_33, %lt3A_36 : vector<256x2048xi1>
    %convert_element_type3A_37 = arith.extui %and3A : vector<256x2048xi1> to vector<256x2048xi32>
    %add3A = arith.addi %convert_element_type3A_30, %convert_element_type3A_37 : vector<256x2048xi32>
    %reduce_sum3A = arith.constant dense<0> : vector<256xi32>
    %reduce_sum3A_38 = vector.multi_reduction <add>, %add3A, %reduce_sum3A [1] : vector<256x2048xi32> to vector<256xi32>
    %broadcast_in_dim3A = vector.shape_cast %reduce_sum3A_38 : vector<256xi32> to vector<256x1xi32>
    %iota3A_39 = tpu.iota {dimensions = array<i32: 1>} : vector<256x2048xi32>
    %eq3A_40 = vector.broadcast %broadcast_in_dim3A : vector<256x1xi32> to vector<256x2048xi32>
    %eq3A_41 = arith.cmpi eq, %iota3A_39, %eq3A_40 : vector<256x2048xi32>
    %convert_element_type3A_42 = arith.extui %eq3A_41 : vector<256x2048xi1> to vector<256x2048xi32>
    %convert_element_type3A_43 = arith.sitofp %convert_element_type3A_42 : vector<256x2048xi32> to vector<256x2048xf32>
    %get3A_44 = arith.constant 0 : index
    %get3A_45 = arith.constant 0 : index
    %get3A_46 = vector.load %arg3[%get3A_44, %get3A_45] : memref<256x256xf32, #tpu.memory_space<vmem>>, vector<256x256xf32>
    %tanh3A = math.tanh %slice3A : vector<256x1xf32>
    %mul3A = vector.broadcast %tanh3A : vector<256x1xf32> to vector<256x256xf32>
    %mul3A_47 = arith.mulf %get3A_46, %mul3A : vector<256x256xf32>
    %get3A_48 = arith.constant 0 : index
    %get3A_49 = arith.constant 0 : index
    %get3A_50 = vector.load %arg4[%get3A_48, %get3A_49] : memref<256x2048xf32, #tpu.memory_space<vmem>>, vector<256x2048xf32>
    %dot_general3A_51 = arith.constant dense<0.000000e+00> : vector<256x2048xf32>
    %dot_general3A_52 = tpu.matmul %mul3A_47, %convert_element_type3A_43, %dot_general3A_51 {dimension_numbers = #tpu.dot_dimension_numbers<[0], [0], [1], [1], [0, 1, 1, 1], [], []>, precision = #tpu.contract_precision<fp32>, transpose_lhs_hint = false} : vector<256x256xf32>, vector<256x2048xf32>, vector<256x2048xf32> -> vector<256x2048xf32>
    %add3A_53 = arith.addf %get3A_50, %dot_general3A_52 : vector<256x2048xf32>
    %swap3A = arith.constant 0 : index
    %swap3A_54 = arith.constant 0 : index
    %swap3A_55 = vector.load %arg4[%swap3A, %swap3A_54] : memref<256x2048xf32, #tpu.memory_space<vmem>>, vector<256x2048xf32>
    tpu.vector_store %arg4[%swap3A, %swap3A_54], %add3A_53 {strides = array<i32>} : memref<256x2048xf32, #tpu.memory_space<vmem>>, vector<256x2048xf32>,
    return
  }
  func.func @transform_0(%arg0: i32) -> (i32, i32) {
    %c0_i32 = arith.constant 0 : i32
    %c0_i32_0 = arith.constant 0 : i32
    %c0_i32_1 = arith.constant 0 : i32
    return %c0_i32, %c0_i32_0 : i32, i32
  }
  func.func @transform_1(%arg0: i32) -> (i32, i32) {
    %c0_i32 = arith.constant 0 : i32
    %c0_i32_0 = arith.constant 0 : i32
    return %c0_i32, %arg0 : i32, i32
  }
  func.func @transform_2(%arg0: i32) -> (i32, i32) {
    %c0_i32 = arith.constant 0 : i32
    %c0_i32_0 = arith.constant 0 : i32
    return %arg0, %c0_i32 : i32, i32
  }
  func.func @transform_3(%arg0: i32) -> (i32, i32) {
    %c0_i32 = arith.constant 0 : i32
    %c0_i32_0 = arith.constant 0 : i32
    %c0_i32_1 = arith.constant 0 : i32
    return %c0_i32, %c0_i32_0 : i32, i32
  }
}

</mosaic_0001>

<sc_bundles>
// kernel: kernel.7.cloned.1.call-start
scs
__scs_entry_jumppad:
0x0: {  	(pc) =	sbr.rel $0x88, $3  }
0x1: {  	(tag) =	ssettag $0x0;
	lr =	simm.s32 $0x1  }
0x2: {  	[smem:$0x3F9F] =	sst lr;
	_ =	strace $0xD0000000  }
0x3: {  	_ = 	snop  }
0x4: {  	_ = 	snop  }
0x5: {  	_ = 	snop  }
0x6: {  	_ = 	snop  }
0x7: {  	_ = 	snop  }
__scs_overlays_trampoline_lowered:
0x8: {  	[smem:$0x3FAE] =	sst s0  }
0x9: {  	[smem:$0x3FAF] =	sst s1  }
0xa: {  	[smem:$0x3FB0] =	sst s2  }
0xb: {  	[smem:$0x3FB1] =	sst s3  }
0xc: {  	[smem:$0x3FB2] =	sst s4  }
0xd: {  	[smem:$0x3FB3] =	sst s5  }
0xe: {  	[smem:$0x3FB4] =	sst s6  }
0xf: {  	[smem:$0x3FB5] =	sst s7  }
0x10: {  	[smem:$0x3FB6] =	sst s8  }
0x11: {  	[smem:$0x3FB7] =	sst s9;
	s0 =	simm.s32 @!p0 $0x0  }
0x12: {  	s1 =	sld [smem:$0x3F9D];
	s0 =	simm.s32 @p0 $0x1  }
0x13: {  	[smem:$0x3FB8] =	sst s0;
	s0 =	simm.s32 @!p1 $0x0  }
0x14: {  	s2 =	sld [smem:$0x3F9C];
	s0 =	simm.s32 @p1 $0x1  }
0x15: {  	[smem:$0x3FB9] =	sst s0;
	s0 =	simm.s32 @!p2 $0x0  }
0x16: {  	s3 =	sld [smem:$0x3FDB];
	s0 =	simm.s32 @p2 $0x1  }
0x17: {  	s4 =	simm.s32 $0x1BF5;
	[smem:$0x3FBB] =	sst s0  }
0x18: {  	s0 =	sld [smem:$0x3F9E];
	_ =	swait.ge [sflag:s4], $0x0  }
0x19: {  	s7 =	sld [smem:$0x3F9F]  }
0x1a: {  	s8 =	sadd.s32 $0xFFFFE003, lr  }
0x1b: {  	s9 =	sadd.s32 $0xFFFFFEF7, lr;
	s5 =	simm.s32 $0xFFFFFFFF;
	p2 =	slt.u32 s8, $0xFFFFF086  }
0x1c: {  	p1 =	slt.u32 s9, $0xF7A;
	s5 =	simm.s32 @!p2 $0x0  }
0x1d: {  	s5 =	simm.s32 @p1 $0x1;
	p0 =	seq.s32 s7, s2  }
0x1e: {  	s7 =	smul.u32 @!p0 $0xF7A, s2;
	p2 =	seq.s32 @!p0 s5, $0x0  }
0x1f: {  	s9 =	smul.u32 $0xF7A, s1;
	s8 =	simm.s32 @!p0 $0x1BF5;
	p2 =	por !p2, p0  }
0x20: {  	[sflag:s8] =	ssyncset.s32 @!p0 $0xFFFFF086;
	s6 =	sadd.s32 @!p0 s3, s7;
	s7 =	simm.s32 @!p0 $0x108  }
0x21: {  	s3 =	sadd.s32 s3, s9;
	s6 =	sadd.s32 @!p0 $0x88, s6;
	s7 =	simm.s32 @p2 $0x1082  }
0x22: {  	[simem:s7], [sflag:s8] =	dma.local @!p0 [hbm:s6], $0xF7A  }
0x23: {  	s9 =	sor.u32 $0xD0000000, s2;
	s6 =	simm.s32 $0x108;
	_ =	swait.ge @!p0 [sflag:s8], $0x0  }
0x24: {  	s3 =	sadd.s32 $0x88, s3;
	s6 =	simm.s32 @!p1 $0x1082;
	[sflag:s4] =	ssyncset.s32 $0xFFFFF086  }
0x25: {  	[simem:s6], [sflag:s4] =	dma.local [hbm:s3], $0xF7A  }
0x26: {  	[smem:$0x3F9F] =	sst s1;
	(tag) =	ssettag s2;
	_ =	strace s9  }
0x27: {  	s1 =	sld [smem:$0x3FAF]  }
0x28: {  	s2 =	sld [smem:$0x3FB0]  }
0x29: {  	s4 =	sld [smem:$0x3FB2]  }
0x2a: {  	p0 =	seq.s32 s5, $0x0;
	s5 =	sld [smem:$0x3FB3]  }
0x2b: {  	s6 =	sld [smem:$0x3FB4]  }
0x2c: {  	s7 =	sld [smem:$0x3FB5]  }
0x2d: {  	s3 =	simm.s32 $0x108;
	s8 =	sld [smem:$0x3FB6]  }
0x2e: {  	s3 =	simm.s32 @!p0 $0x1082;
	s9 =	sld [smem:$0x3FB7]  }
0x2f: {  	lr =	sadd.s32 s0, s3;
	s0 =	sld [smem:$0x3FAE]  }
0x30: {  	s3 =	sld [smem:$0x3FB1]  }
0x31: {  	[smem:$0x3FBA] =	sst s10  }
0x32: {  	s10 =	sld [smem:$0x3FB8];
	_ =	sdelay $0x3  }
0x33: {  	p0 =	seq.s32 s10, $0x1;
	s10 =	sld [smem:$0x3FBA];
	_ =	sdelay $0x3  }
0x34: {  	[smem:$0x3FBA] =	sst s10  }
0x35: {  	s10 =	sld [smem:$0x3FB9];
	_ =	sdelay $0x3  }
0x36: {  	p1 =	seq.s32 s10, $0x1;
	s10 =	sld [smem:$0x3FBA];
	_ =	sdelay $0x3  }
0x37: {  	[smem:$0x3FBA] =	sst s10  }
0x38: {  	s10 =	sld [smem:$0x3FBB]  }
0x39: {  	_ = 	snop;
	(pc) =	sbr.ind lr, $3  }
0x3a: {  	_ = 	snop  }
0x3b: {  	_ = 	snop  }
0x3c: {  	p2 =	seq.s32 s10, $0x1;
	s10 =	sld [smem:$0x3FBA]  }
0x3d: {  	_ =	shalt  }
0x3e: {  	_ =	shalt  }
0x3f: {  	_ =	shalt  }
0x40: {  	_ =	shalt  }
0x41: {  	_ =	shalt  }
0x42: {  	_ =	shalt  }
0x43: {  	_ =	shalt  }
0x44: {  	_ =	shalt  }
0x45: {  	_ =	shalt  }
0x46: {  	_ =	shalt  }
0x47: {  	_ =	shalt  }
0x48: {  	_ =	shalt  }
0x49: {  	_ =	shalt  }
0x4a: {  	_ =	shalt  }
0x4b: {  	_ =	shalt  }
0x4c: {  	_ =	shalt  }
0x4d: {  	_ =	shalt  }
0x4e: {  	_ =	shalt  }
0x4f: {  	_ =	shalt  }
0x50: {  	_ =	shalt  }
0x51: {  	_ =	shalt  }
0x52: {  	_ =	shalt  }
0x53: {  	_ =	shalt  }
0x54: {  	_ =	shalt  }
0x55: {  	_ =	shalt  }
0x56: {  	_ =	shalt  }
0x57: {  	_ =	shalt  }
0x58: {  	_ =	shalt  }
0x59: {  	_ =	shalt  }
0x5a: {  	_ =	shalt  }
0x5b: {  	_ =	shalt  }
0x5c: {  	_ =	shalt  }
0x5d: {  	_ =	shalt  }
0x5e: {  	_ =	shalt  }
0x5f: {  	_ =	shalt  }
0x60: {  	_ =	shalt  }
0x61: {  	_ =	shalt  }
0x62: {  	_ =	shalt  }
0x63: {  	_ =	shalt  }
0x64: {  	_ =	shalt  }
0x65: {  	_ =	shalt  }
0x66: {  	_ =	shalt  }
0x67: {  	_ =	shalt  }
0x68: {  	_ =	shalt  }
0x69: {  	_ =	shalt  }
0x6a: {  	_ =	shalt  }
0x6b: {  	_ =	shalt  }
0x6c: {  	_ =	shalt  }
0x6d: {  	_ =	shalt  }
0x6e: {  	_ =	shalt  }
0x6f: {  	_ =	shalt  }
0x70: {  	_ =	shalt  }
0x71: {  	_ =	shalt  }
0x72: {  	_ =	shalt  }
0x73: {  	_ =	shalt  }
0x74: {  	_ =	shalt  }
0x75: {  	_ =	shalt  }
0x76: {  	_ =	shalt  }
0x77: {  	_ =	shalt  }
0x78: {  	_ =	shalt  }
0x79: {  	_ =	shalt  }
0x7a: {  	_ =	shalt  }
0x7b: {  	_ =	shalt  }
0x7c: {  	_ =	shalt  }
0x7d: {  	_ =	shalt  }
0x7e: {  	_ =	shalt  }
0x7f: {  	_ =	shalt  }
0x80: {  	_ =	shalt  }
0x81: {  	_ =	shalt  }
0x82: {  	_ =	shalt  }
0x83: {  	_ =	shalt  }
0x84: {  	_ =	shalt  }
0x85: {  	_ =	shalt  }
0x86: {  	_ =	shalt  }
0x87: {  	_ =	shalt  }
.Lfunc_end0:
.L_simem_size_0:
called_computation_lowered:
.L_overlay_start_0:
0x88: {  	s2 =	sld [smem:$0x3FD9]  }
0x89: {  	s3 =	sld [smem:$0x3FFE];
	_ =	sdelay $0x1  }
0x8a: {  	s1 =	srdreg.scid  }
0x8b: {  	s0 =	sand.u32 $0x1, s1  }
0x8c: {  	s17 =	sshll.u32 s0, $0xA;
	s2 =	sadd.s32 s3, s2  }
0x8d: {  	s2 =	sadd.s32 s2, s17  }
0x8e: {  	[smem:$0x3FC6] =	sst s2  }
0x8f: {  	_ = 	snop  }
0x90: {  	s2 =	sld [smem:$0x3FC9]  }
0x91: {  	s18 =	sld [smem:$0x3FD0];
	(tm) =	ssettm $0x1  }
0x92: {  	s4 =	sld [smem:$0x3FFB];
	_ =	sdelay $0x3  }
0x93: {  	_ =	strace s4  }
0x94: {  	s4 =	sld [smem:$0x3FFC];
	_ =	sdelay $0x3  }
0x95: {  	_ =	strace s4  }
0x96: {  	s4 =	sld [smem:$0x3FFD];
	_ =	sdelay $0x3  }
0x97: {  	_ =	strace s4  }
0x98: {  	_ =	strace $0x8FFFFFFF  }
0x99: {  	s19 =	sld [smem:$0x3FDB];
	_ =	sdelay $0x1  }
0x9a: {  	s5 =	simm.s32 $_scs_section_size  }
0x9b: {  	s6 =	simm.s32 $_size__tile_overlayer_lowered;
	s7 =	simm.s32 $_tile_overlayer_lowered  }
0x9c: {  	s22 =	simm.s32 $0x1BFF;
	s21 =	sshll.u32 s7, $0x1;
	s4 =	sadd.s32 s5, s19  }
0x9d: {  	s8 =	simm.s32 $0x0;
	s20 =	sshll.u32 s6, $0x1;
	s6 =	sadd.s32 s21, s4  }
0x9e: {  	[timem:s8], [sflag:s22] =	dma.local [hbm:s6], s20  }
0x9f: {  	_ =	swait.ge [sflag:s22], s20  }
0xa0: {  	s5 =	ssub.s32 $0x0, s20;
	[sflag:s22] =	ssyncset.done $0x0  }
0xa1: {  	[sflag:s22] =	ssyncadd.s32 s5;
	_ =	sdelay $0x1  }
0xa2: {  	s23 =	simm.s32 $0x1B8B  }
0xa3: {  	_ =	swait.ge [sflag:s23], $0x1  }
0xa4: {  	[sflag:s23] =	ssyncset.done $0x0  }
0xa5: {  	s25 =	simm.s32 $0x1B8E;
	s24 =	sld [smem:$0x3FFE];
	[sflag:s23] =	ssyncadd.s32 $0xFFFFFFFF  }
0xa6: {  	s26 =	simm.s32 $execute0_lowered;
	[smem:$0x3FD2] =	sst s25  }
0xa7: {  	s6 =	sshll.u32 s26, $0x1;
	_ =	strace $0x80000046;
	[dreg:$0x1] =	wrdreg $0xFFFFFFFF  }
0xa8: {  	s28 =	simm.s32 $_size_execute0_lowered;
	s4 =	sadd.s32 s4, s6;
	[dreg:$0x0] =	wrdreg $0x0  }
0xa9: {  	s6 =	sshll.u32 s28, $0x1;
	[dreg:$0x2] =	wrdreg s4  }
0xaa: {  	[dreg:$0x3] =	wrdreg s6  }
0xab: {  	[dreg:$0x4] =	wrdreg $0xC0  }
0xac: {  	_ =	task [dreg:s8], $0x5FFFF  }
0xad: {  	[dreg:$0x1] =	wrdreg $0xFFFFFFFF  }
0xae: {  	[dreg:$0x0] =	wrdreg $0x60  }
0xaf: {  	[dreg:$0x2] =	wrdreg s2  }
0xb0: {  	[dreg:$0x3] =	wrdreg s24  }
0xb1: {  	[dreg:$0x4] =	wrdreg s18  }
0xb2: {  	[dreg:$0x5] =	wrdreg $0x9  }
0xb3: {  	_ =	task.clear_ibuf [dreg:s8], $0x6FFFF;
	_ =	strace $0x90000046  }
0xb4: {  	s29 =	simm.s32 $0x9;
	_ =	strace $0x80000048  }
0xb5: {  	_ =	swait.ge [sflag:s29], $0x1  }
0xb6: {  	[sflag:s29] =	ssyncadd.s32 $0xFFFFFFFF  }
0xb7: {  	_ =	strace $0x90000048  }
0xb8: {  	_ =	sfence  }
0xb9: {  	s30 =	sld [smem:$0x0];
	_ =	sdelay $0x2  }
0xba: {  	s31 =	sshll.u32 s1, $0xD;
	s1 =	sshrl.u32 s1, $0x2  }
0xbb: {  	s3 =	sand.u32 $0x4000, s31;
	s1 =	sadd.s32 s1, s30  }
0xbc: {  	s0 =	sor.u32 s3, s0;
	s1 =	sshll.u32 s1, $0x11  }
0xbd: {  	s0 =	sor.u32 s1, s0  }
0xbe: {  	s0 =	sadd.s32 $0x8F2B, s0  }
0xbf: {  	[sflag:s0] =	ssyncadd.remote.s32 $0x1  }
0xc0: {  	_ =	sfence.sel $0xFFFF  }
0xc1: {  	[dreg:$0x0] =	wrdreg $0xFFFFFFFF;
	(pc) =	sbr.abs _section_cstart, $3  }
0xc2: {  	[dreg:$0x1] =	wrdreg $0xFFFFFFFF  }
0xc3: {  	_ =	task.clear_ibuf [dreg:s8], $0x2FFFF;
	_ =	strace $0x9FFFFFFF  }
0xc4: {  	(tm) =	ssettm $0x7FFFFFFF  }
0xc5: {  	_ =	shalt  }
tec
execute0_lowered:
.L_overlay_start_1:
0x0: {  	(tag) =	ssettag $0x1  }
0x1: {  	s1 =	rddreg [dreg:$0x0]  }
0x2: {  	s4 =	rddreg [dreg:$0x1]  }
0x3: {  	s5 =	rddreg [dreg:$0x2];
	s3 =	srdreg.scid  }
0x4: {  	s0 =	rddreg [dreg:$0x3];
	s2 =	stileid.u32;
	s10 =	simm.s32 $0x1080  }
0x5: {  	s11 =	simm.s32 $0x1880;
	s12 =	simm.s32 $0x2080;
	s13 =	simm.s32 $0x2880  }
0x6: {  	s14 =	simm.s32 $0x3080;
	s15 =	simm.s32 $0x3880;
	s16 =	simm.s32 $0x1  }
0x7: {  	s6 =	sand.u32 $0x1, s3;
	s3 =	simm.s32 $0x0;
	s7 =	sshll.u32 s2, $0x7  }
0x8: {  	s8 =	sshll.u32 s6, $0x6;
	[smem:$0x7FF] =	sst s3;
	s6 =	ssub.s32 $0x2, s6  }
0x9: {  	s7 =	sor.u32 s8, s7;
	_ =	strace $0x80000047;
	s31 =	sshrl.u32 s6, $0x1  }
0xa: {  	v2 =	vlaneseq.u32;
	s8 =	simm.s32 $0x80;
	s9 =	sshrl.u32 s7, $0x3;
	s7 =	sshll.u32 s7, $0x5  }
0xb: {  	vm0 =	vmmov $0xffff;
	v1 =	vshrl.u32 v2, $0x3;
	s6 =	ssub.s32 s6, s31;
	s4 =	sadd.s32 s4, s9;
	s5 =	sadd.s32 s5, s7  }
0xc: {  	v0 =	vand.u32 $0x7, v2;
	v2 =	vor.u32 $0x8, v2;
	v1 =	vmul.u32 $0x8, v1;
	s6 =	smax.u32 s6, $0x1;
	s7 =	simm.s32 $0x2;
	s9 =	simm.s32 $0x880  }
.LBB2_1:
0xd: {  	[tilespmem:s3], [sflag:$0x2] =	stream.linear.gather [hbm4b:s4+s3], $0x40, $0x38;
	[tilespmem:$0x4080] =	vst v63  }
0xe: {  	_ =	swait.ge [sflag:s7], $0x40  }
0xf: {  	[sflag:s7] =	ssyncset.done $0x0  }
0x10: {  	[sflag:s7] =	ssyncadd.s32 $0xFFFFFFC0  }
0x11: {  	v3 =	vld [tilespmem:$0x0];
	_ =	sdelay $0x4  }
0x12: {  	v4 =	vshll.u32 v3, $0x1  }
0x13: {  	v3 =	vand.u32 $0x7, v3;
	v4 =	vand.u32 $0xFFFFFFF0, v4  }
0x14: {  	v3 =	vor.u32 v3, v4  }
0x15: {  	v4 =	vperm.xlane v3, v0;
	_ =	sdelay $0x1  }
0x16: {  	v3 =	vperm.xlane v3, v2;
	v4 =	vadd.s32 v1, v4;
	_ =	sdelay $0x1  }
0x17: {  	v3 =	vadd.s32 v1, v3;
	_ =	sdelay $0x2  }
0x18: {  	[tilespmem:s8], [sflag:$0x1] =	stream.indirect_vreg.gather [hbm4b:s1+s3], $0x80, v4, vm0, $0xb8;
	[tilespmem:$0x4080] =	vst v63  }
0x19: {  	_ = 	snop  }
0x1a: {  	[tilespmem:s9], [sflag:$0x1] =	stream.indirect_vreg.gather [hbm4b:s1+s3], $0x80, v3, vm0, $0xb8;
	[tilespmem:$0x4080] =	vst v63  }
0x1b: {  	v3 =	vld [tilespmem:$0x10];
	_ =	sdelay $0x4  }
0x1c: {  	v61 =	vshll.u32 v3, $0x1  }
0x1d: {  	v3 =	vand.u32 $0x7, v3;
	v4 =	vand.u32 $0xFFFFFFF0, v61  }
0x1e: {  	v3 =	vor.u32 v3, v4  }
0x1f: {  	v4 =	vperm.xlane v3, v0;
	_ =	sdelay $0x1  }
0x20: {  	v3 =	vperm.xlane v3, v2;
	v4 =	vadd.s32 v1, v4;
	_ =	sdelay $0x1  }
0x21: {  	v3 =	vadd.s32 v1, v3;
	_ =	sdelay $0x2  }
0x22: {  	[tilespmem:s10], [sflag:$0x1] =	stream.indirect_vreg.gather [hbm4b:s1+s3], $0x80, v4, vm0, $0xb8;
	[tilespmem:$0x4080] =	vst v63  }
0x23: {  	_ = 	snop  }
0x24: {  	[tilespmem:s11], [sflag:$0x1] =	stream.indirect_vreg.gather [hbm4b:s1+s3], $0x80, v3, vm0, $0xb8;
	[tilespmem:$0x4080] =	vst v63  }
0x25: {  	v3 =	vld [tilespmem:$0x20];
	_ =	sdelay $0x4  }
0x26: {  	v62 =	vshll.u32 v3, $0x1  }
0x27: {  	v3 =	vand.u32 $0x7, v3;
	v4 =	vand.u32 $0xFFFFFFF0, v62  }
0x28: {  	v3 =	vor.u32 v3, v4  }
0x29: {  	v4 =	vperm.xlane v3, v0;
	_ =	sdelay $0x1  }
0x2a: {  	v3 =	vperm.xlane v3, v2;
	v4 =	vadd.s32 v1, v4;
	_ =	sdelay $0x1  }
0x2b: {  	v3 =	vadd.s32 v1, v3;
	_ =	sdelay $0x2  }
0x2c: {  	[tilespmem:s12], [sflag:$0x1] =	stream.indirect_vreg.gather [hbm4b:s1+s3], $0x80, v4, vm0, $0xb8;
	[tilespmem:$0x4080] =	vst v63  }
0x2d: {  	_ = 	snop  }
0x2e: {  	[tilespmem:s13], [sflag:$0x1] =	stream.indirect_vreg.gather [hbm4b:s1+s3], $0x80, v3, vm0, $0xb8;
	[tilespmem:$0x4080] =	vst v63  }
0x2f: {  	v3 =	vld [tilespmem:$0x30];
	_ =	sdelay $0x4  }
0x30: {  	v63 =	vshll.u32 v3, $0x1  }
0x31: {  	v3 =	vand.u32 $0x7, v3;
	v4 =	vand.u32 $0xFFFFFFF0, v63  }
0x32: {  	v3 =	vor.u32 v3, v4  }
0x33: {  	v4 =	vperm.xlane v3, v0;
	_ =	sdelay $0x1  }
0x34: {  	v3 =	vperm.xlane v3, v2;
	v4 =	vadd.s32 v1, v4;
	_ =	sdelay $0x1  }
0x35: {  	v3 =	vadd.s32 v1, v3;
	_ =	sdelay $0x2  }
0x36: {  	[tilespmem:s14], [sflag:$0x1] =	stream.indirect_vreg.gather [hbm4b:s1+s3], $0x80, v4, vm0, $0xb8;
	[tilespmem:$0x4080] =	vst v63  }
0x37: {  	_ = 	snop  }
0x38: {  	[tilespmem:s15], [sflag:$0x1] =	stream.indirect_vreg.gather [hbm4b:s1+s3], $0x80, v3, vm0, $0xb8;
	[tilespmem:$0x4080] =	vst v63  }
0x39: {  	_ =	swait.ge [sflag:s16], $0x4000  }
0x3a: {  	p0 =	sne.s32 s6, $0x1;
	[sflag:s16] =	ssyncset.done $0x0  }
.Ltmp0:
0x3b: {  	[sflag:s16] =	ssyncadd.s32 $0xFFFFC000;
	(pc) =	sbr.rel @p0 .LBB2_1-.Ltmp0, $4  }
0x3c: {  	[hbm4b:s5+s3] =	stream.linear.scatter [tilespmem:s8], [sflag:$0x2], $0x4000, $0x38;
	[tilespmem:$0x4080] =	vst v63  }
0x3d: {  	_ =	swait.ge [sflag:s7], $0x4000  }
0x3e: {  	[sflag:s7] =	ssyncset.done $0x0  }
0x3f: {  	s6 =	sadd.s32 $0xFFFFFFFF, s6;
	[sflag:s7] =	ssyncadd.s32 $0xFFFFC000  }
0x40: {  	_ =	sfence.sel $0x180000  }
0x41: {  	[bflag:$0x0] =	sbarrier.arrive $0xFFFF  }
0x42: {  	p0 =	sne.s32 s2, $0x0;
	_ =	strace $0x90000047  }
0x43: {  	s0 =	sadd.s32 @!p0 $0x100000, s0;
	[bflag:$0x2] =	sbarrier.arrive $0xFFFF  }
0x44: {  	[sflag:s0] =	ssyncadd.tile.s32 @!p0 $0x1;
	_ =	shalt  }
.Lfunc_end2:
_tile_overlayer_lowered:
.L_overlay_start_2:
0x45: {  	(tag) =	ssettag $0x2  }
0x46: {  	s0 =	rddreg [dreg:$0x0];
	s2 =	stileid.u32  }
0x47: {  	s1 =	rddreg [dreg:$0x1];
	p0 =	sne.s32 s2, $0x0  }
0x48: {  	s3 =	rddreg [dreg:$0x2];
	[bflag:$0x3] =	sbarrier.arrive $0xFFFF;
	s2 =	simm.s32 @!p0 $0x1C02  }
0x49: {  	[timem:s3], [sflag:s2] =	dma.local @!p0 [hbm:s0], s1  }
0x4a: {  	s0 =	simm.s32 @!p0 $0x2  }
0x4b: {  	_ =	swait.ge @!p0 [sflag:s0], s1  }
0x4c: {  	s1 =	ssub.s32 @!p0 $0x0, s1;
	[sflag:s0] =	ssyncset.done @!p0 $0x0  }
0x4d: {  	[sflag:s0] =	ssyncadd.s32 @!p0 s1  }
0x4e: {  	[bflag:$0x3] =	sbarrier.arrive $0xFFFF  }
0x4f: {  	_ =	shalt  }

</sc_bundles>
